<compile_context>
chip_gen: v7x
topology: tpu7x:2x2x1
jax: 0.10.2.dev20260603
libtpu: 0.0.44.dev20260713+nightly
codegen_flags: <defaults>
</compile_context>

<pallas_src>
import functools

import jax
import jax.numpy as jnp
from jax import lax
from jax.experimental import pallas as pl
from jax.experimental.pallas import tpu as pltpu
from jax.experimental.pallas import tpu_sc as plsc

_B, _S, _V, _D, _T, _M = 4, 2048, 100000, 128, 2, 768
_LN_EPS = 1e-12


def _sc_gather(table, ids2d, chunk=64):
  bs_b, bs_s = ids2d.shape
  n = bs_b * bs_s
  d = table.shape[1]
  info = plsc.get_sparse_core_info()
  nw = info.num_cores * info.num_subcores
  per_w = n // nw
  w_per_row = bs_s // per_w
  n_chunks = per_w // chunk
  mesh = plsc.VectorSubcoreMesh(core_axis_name="c", subcore_axis_name="s")

  @functools.partial(
      pl.kernel,
      mesh=mesh,
      out_type=jax.ShapeDtypeStruct((n, d), jnp.float32),
      scratch_types=[
          pltpu.VMEM((per_w,), jnp.int32),
          pltpu.VMEM((n_chunks, chunk, d), jnp.float32),
          [pltpu.SemaphoreType.DMA] * n_chunks,
          pltpu.SemaphoreType.DMA,
      ],
  )
  def k(table_hbm, idx_hbm, out_hbm, idx_v, rows_v, gsems, ssem):
    wid = lax.axis_index("s") * info.num_cores + lax.axis_index("c")
    row = wid // w_per_row
    col = (wid % w_per_row) * per_w
    base = wid * per_w
    pltpu.sync_copy(idx_hbm.at[row, pl.ds(col, per_w)], idx_v)
    gathers = [
        pltpu.async_copy(table_hbm.at[idx_v.at[pl.ds(j * chunk, chunk)]],
                         rows_v.at[j], gsems[j])
        for j in range(n_chunks)
    ]
    stores = []
    for j in range(n_chunks):
      gathers[j].wait()
      stores.append(
          pltpu.async_copy(rows_v.at[j],
                           out_hbm.at[pl.ds(base + j * chunk, chunk)], ssem))
    for s in stores:
      s.wait()

  return k(table, ids2d)


def _dense_body(w_ref, pos_ref, tf_ref, tt_ref, ls_ref, lb_ref, W_ref, b_ref,
                o_ref):
  tf = tf_ref[...]
  tt0 = tt_ref[0:1, :]
  tt1 = tt_ref[1:2, :]
  x = w_ref[...] + pos_ref[...] + (tt0 + tf * (tt1 - tt0))
  mean = jnp.mean(x, axis=-1, keepdims=True)
  xc = x - mean
  var = jnp.mean(xc * xc, axis=-1, keepdims=True)
  normed = xc * lax.rsqrt(var + _LN_EPS)
  normed = normed * ls_ref[...] + lb_ref[...]
  o_ref[...] = (
      jnp.dot(normed, W_ref[...], preferred_element_type=jnp.float32)
      + b_ref[...])


def _tc_dense(wrows, pos2d, type_f, type_table, ln_scale, ln_bias, W, b, blk):
  n = wrows.shape[0]
  return pl.pallas_call(
      _dense_body,
      grid=(n // blk,),
      in_specs=[
          pl.BlockSpec((blk, _D), lambda i: (i, 0)),
          pl.BlockSpec((blk, _D), lambda i: (0, 0)),
          pl.BlockSpec((blk, 1), lambda i: (i, 0)),
          pl.BlockSpec((_T, _D), lambda i: (0, 0)),
          pl.BlockSpec((1, _D), lambda i: (0, 0)),
          pl.BlockSpec((1, _D), lambda i: (0, 0)),
          pl.BlockSpec((_D, _M), lambda i: (0, 0)),
          pl.BlockSpec((1, _M), lambda i: (0, 0)),
      ],
      out_specs=pl.BlockSpec((blk, _M), lambda i: (i, 0)),
      out_shape=jax.ShapeDtypeStruct((n, _M), jnp.float32),
      compiler_params=pltpu.CompilerParams(
          dimension_semantics=("arbitrary",)),
  )(wrows, pos2d, type_f, type_table, ln_scale, ln_bias, W, b)


def kernel(input_ids, type_ids, word_table, pos_emb, type_table, ln_scale,
           ln_bias, W, b):
  bs = _B * _S
  wrows = _sc_gather(word_table, input_ids)
  pos2d = pos_emb.reshape(_S, _D)
  type_f = type_ids.reshape(bs, 1).astype(jnp.float32)
  out = _tc_dense(wrows, pos2d, type_f, type_table, ln_scale.reshape(1, _D),
                  ln_bias.reshape(1, _D), W, b.reshape(1, _M), blk=_S)
  return out.reshape(_B, _S, _M)

# --- scband reference (transcript-rebuilt; emitter-appended) ---
"""Pipeline reference for scband-embedding-layer-24223615549797 (READ-ONLY COPY).

The authoritative reference and input builder live on the scoring server;
editing this copy changes nothing except your own understanding.
"""

import jax, jax.numpy as jnp
import numpy as np

B, S, V, D, T, M = 4, 2048, 100000, 128, 2, 768
LN_EPS = 1e-12


def setup_inputs(seed: int = 0) -> dict:
    key = jax.random.key(seed)
    ks = jax.random.split(key, 8)
    return {
        "input_ids": jax.random.randint(ks[0], (B, S), 0, V, dtype=jnp.int64 if jax.config.jax_enable_x64 else jnp.int32).astype(jnp.int32),
        "type_ids": jax.random.randint(ks[1], (B, S), 0, T).astype(jnp.int32),
        "word_table": (jax.random.normal(ks[2], (V, D), dtype=jnp.float32) * 0.02),
        "pos_emb": (jax.random.normal(ks[3], (1, S, D), dtype=jnp.float32) * 0.02),
        "type_table": (jax.random.normal(ks[4], (T, D), dtype=jnp.float32) * 0.02),
        "ln_scale": jnp.ones((D,), jnp.float32),
        "ln_bias": jnp.zeros((D,), jnp.float32),
        "W": (jax.random.normal(ks[5], (D, M), dtype=jnp.float32) * 0.02),
        "b": jnp.zeros((M,), jnp.float32),
    }


def reference(input_ids, type_ids, word_table, pos_emb, type_table, ln_scale, ln_bias, W, b):
    # word embeddings: gather rows from the large table
    word_embeddings = jnp.take(word_table, input_ids, axis=0)  # [B, S, D]
    # learned positional embeddings, sliced to current length
    position_embeddings = pos_emb[:, : word_embeddings.shape[1], :]  # [1, S, D]
    # type embeddings
    type_embeddings = jnp.take(type_table, type_ids, axis=0)  # [B, S, D]
    embeddings = word_embeddings + position_embeddings + type_embeddings
    # LayerNorm (flax default: normalize over last axis)
    mean = jnp.mean(embeddings, axis=-1, keepdims=True)
    var = jnp.mean(jnp.square(embeddings - mean), axis=-1, keepdims=True)
    normed = (embeddings - mean) * jax.lax.rsqrt(var + LN_EPS)
    embeddings = normed * ln_scale + ln_bias
    # hidden_mapping_in DenseGeneral
    out = jnp.dot(embeddings, W) + b  # [B, S, M]
    # Dropout with deterministic=True is identity
    return out

if __name__ == "__main__":
    import jax
    _d = setup_inputs()
    print(jax.jit(kernel)(*tuple(_d.values())))

</pallas_src>

<mosaic_0001>
#map = affine_map<(d0, d1) -> (0, 0)>
module attributes {stable_mosaic.version = 14 : i64} {
  func.func @k(%arg0: i32, %arg1: i32, %arg2: memref<100000x128xf32, #tpu.memory_space<hbm>>, %arg3: memref<4x2048xi32, #tpu.memory_space<hbm>>, %arg4: memref<8192x128xf32, #tpu.memory_space<hbm>>, %arg5: memref<256xi32, #tpu.memory_space<vmem>>, %arg6: memref<4x64x128xf32, #tpu.memory_space<vmem>>, %arg7: memref<!tpu.dma_semaphore, #tpu.memory_space<semaphore_mem>>, %arg8: memref<!tpu.dma_semaphore, #tpu.memory_space<semaphore_mem>>, %arg9: memref<!tpu.dma_semaphore, #tpu.memory_space<semaphore_mem>>, %arg10: memref<!tpu.dma_semaphore, #tpu.memory_space<semaphore_mem>>, %arg11: memref<!tpu.dma_semaphore, #tpu.memory_space<semaphore_mem>>) attributes {dimension_semantics = [#tpu.dimension_semantics<core_parallel>, #tpu.dimension_semantics<subcore_parallel>], iteration_bounds = array<i64: 2, 16>, scalar_prefetch = 0 : i64, scratch_operands = 7 : i64, tpu.core_type = #tpu.core_type<sc_vector_subcore>, window_params = [{transform_indices = #map}, {transform_indices = #map}, {transform_indices = #map}]} {
    %mul3A = arith.constant 2 : i32
    %mul3A_0 = arith.muli %arg1, %mul3A : i32
    %add3A = arith.addi %mul3A_0, %arg0 : i32
    %jit3A = arith.constant 8 : i32
    %div3A = arith.divsi %add3A, %jit3A : i32
    %sign3A = arith.constant 0 : i32
    %sign3A_1 = arith.cmpi sgt, %add3A, %sign3A : i32
    %sign3A_2 = arith.extui %sign3A_1 : i1 to i32
    %sign3A_3 = arith.constant 0 : i32
    %sign3A_4 = arith.cmpi slt, %add3A, %sign3A_3 : i32
    %sign3A_5 = arith.extui %sign3A_4 : i1 to i32
    %sign3A_6 = arith.subi %sign3A_2, %sign3A_5 : i32
    %sign3A_7 = arith.constant 0 : i32
    %sign3A_8 = arith.cmpi sgt, %jit3A, %sign3A_7 : i32
    %sign3A_9 = arith.extui %sign3A_8 : i1 to i32
    %sign3A_10 = arith.constant 0 : i32
    %sign3A_11 = arith.cmpi slt, %jit3A, %sign3A_10 : i32
    %sign3A_12 = arith.extui %sign3A_11 : i1 to i32
    %sign3A_13 = arith.subi %sign3A_9, %sign3A_12 : i32
    %ne3A = arith.cmpi ne, %sign3A_6, %sign3A_13 : i32
    %rem3A = arith.remsi %add3A, %jit3A : i32
    %ne3A_14 = arith.constant 0 : i32
    %ne3A_15 = arith.cmpi ne, %rem3A, %ne3A_14 : i32
    %and3A = arith.andi %ne3A, %ne3A_15 : i1
    %sub3A = arith.constant 1 : i32
    %sub3A_16 = arith.subi %div3A, %sub3A : i32
    %select_n3A = arith.select %and3A, %sub3A_16, %div3A : i32
    %jit3A_17 = arith.constant 8 : i32
    %eq3A = arith.constant 0 : i32
    %eq3A_18 = arith.cmpi eq, %jit3A_17, %eq3A : i32
    %jit3A_19 = arith.constant 1 : i32
    %select_n3A_20 = arith.select %eq3A_18, %jit3A_19, %jit3A_17 : i32
    %rem3A_21 = arith.remsi %add3A, %select_n3A_20 : i32
    %ne3A_22 = arith.constant 0 : i32
    %ne3A_23 = arith.cmpi ne, %rem3A_21, %ne3A_22 : i32
    %lt3A = arith.constant 0 : i32
    %lt3A_24 = arith.cmpi slt, %rem3A_21, %lt3A : i32
    %lt3A_25 = arith.constant 0 : i32
    %lt3A_26 = arith.cmpi slt, %select_n3A_20, %lt3A_25 : i32
    %ne3A_27 = arith.xori %lt3A_24, %lt3A_26 : i1
    %and3A_28 = arith.andi %ne3A_27, %ne3A_23 : i1
    %add3A_29 = arith.addi %rem3A_21, %select_n3A_20 : i32
    %select_n3A_30 = arith.select %and3A_28, %add3A_29, %rem3A_21 : i32
    %mul3A_31 = arith.constant 256 : i32
    %mul3A_32 = arith.muli %select_n3A_30, %mul3A_31 : i32
    %mul3A_33 = arith.constant 256 : i32
    %mul3A_34 = arith.muli %add3A, %mul3A_33 : i32
    "tpu.region"() ({
      %run_scoped3A = tpu.sem_alloc : memref<!tpu.dma_semaphore, #tpu.memory_space<semaphore_mem>>
      %dma_start3A_225 = tpu.memref_slice %arg3[%select_n3A, %mul3A_32] : memref<4x2048xi32, #tpu.memory_space<hbm>> -> memref<1x256xi32, #tpu.memory_space<hbm>>
      %dma_start3A_226 = tpu.memref_squeeze %dma_start3A_225 : memref<1x256xi32, #tpu.memory_space<hbm>> -> memref<256xi32, #tpu.memory_space<hbm>>
      %dma_start3A_227 = tpu.memref_slice %arg3[%select_n3A, %mul3A_32] : memref<4x2048xi32, #tpu.memory_space<hbm>> -> memref<1x256xi32, #tpu.memory_space<hbm>>
      %dma_start3A_228 = tpu.memref_squeeze %dma_start3A_227 : memref<1x256xi32, #tpu.memory_space<hbm>> -> memref<256xi32, #tpu.memory_space<hbm>>
      tpu.enqueue_dma source(%dma_start3A_228 : memref<256xi32, #tpu.memory_space<hbm>>) target(%arg5 : memref<256xi32, #tpu.memory_space<vmem>>) target_semaphore(%run_scoped3A : memref<!tpu.dma_semaphore, #tpu.memory_space<semaphore_mem>>)
      %dma_wait3A_229 = tpu.memref_slice %arg3[%select_n3A, %mul3A_32] : memref<4x2048xi32, #tpu.memory_space<hbm>> -> memref<1x256xi32, #tpu.memory_space<hbm>>
      %dma_wait3A_230 = tpu.memref_squeeze %dma_wait3A_229 : memref<1x256xi32, #tpu.memory_space<hbm>> -> memref<256xi32, #tpu.memory_space<hbm>>
      %dma_wait3A_231 = tpu.memref_slice %arg3[%select_n3A, %mul3A_32] : memref<4x2048xi32, #tpu.memory_space<hbm>> -> memref<1x256xi32, #tpu.memory_space<hbm>>
      %dma_wait3A_232 = tpu.memref_squeeze %dma_wait3A_231 : memref<1x256xi32, #tpu.memory_space<hbm>> -> memref<256xi32, #tpu.memory_space<hbm>>
      tpu.wait_dma2 semaphore(%run_scoped3A : memref<!tpu.dma_semaphore, #tpu.memory_space<semaphore_mem>>) src(%dma_wait3A_232 : memref<256xi32, #tpu.memory_space<hbm>>) dst(%arg5 : memref<256xi32, #tpu.memory_space<vmem>>)
      tpu.yield
    }) : () -> ()
    %dma_start3A = arith.constant 0 : i32
    %dma_start3A_35 = arith.constant 0 : i32
    %dma_start3A_36 = arith.constant 0 : i32
    %dma_start3A_37 = tpu.memref_slice %arg6[%dma_start3A, %dma_start3A_35, %dma_start3A_36] : memref<4x64x128xf32, #tpu.memory_space<vmem>> -> memref<1x64x128xf32, #tpu.memory_space<vmem>>
    %dma_start3A_38 = tpu.memref_squeeze %dma_start3A_37 : memref<1x64x128xf32, #tpu.memory_space<vmem>> -> memref<64x128xf32, #tpu.memory_space<vmem>>
    %dma_start3A_39 = arith.constant 0 : i32
    %dma_start3A_40 = tpu.memref_slice %arg5[%dma_start3A_39] : memref<256xi32, #tpu.memory_space<vmem>> -> memref<64xi32, #tpu.memory_space<vmem>>
    %dma_start3A_41 = arith.constant 0 : i32
    %dma_start3A_42 = arith.constant 0 : i32
    %dma_start3A_43 = tpu.memref_slice %arg2[%dma_start3A_41, %dma_start3A_42] : memref<100000x128xf32, #tpu.memory_space<hbm>> -> memref<100000x128xf32, #tpu.memory_space<hbm>>
    tpu.enqueue_indirect_dma source(%dma_start3A_43 : memref<100000x128xf32, #tpu.memory_space<hbm>>) target(%dma_start3A_38 : memref<64x128xf32, #tpu.memory_space<vmem>>) offsets(%dma_start3A_40 : memref<64xi32, #tpu.memory_space<vmem>>) semaphore(%arg7 : memref<!tpu.dma_semaphore, #tpu.memory_space<semaphore_mem>>)
    %dma_start3A_44 = arith.constant 1 : i32
    %dma_start3A_45 = arith.constant 0 : i32
    %dma_start3A_46 = arith.constant 0 : i32
    %dma_start3A_47 = tpu.memref_slice %arg6[%dma_start3A_44, %dma_start3A_45, %dma_start3A_46] : memref<4x64x128xf32, #tpu.memory_space<vmem>> -> memref<1x64x128xf32, #tpu.memory_space<vmem>>
    %dma_start3A_48 = tpu.memref_squeeze %dma_start3A_47 : memref<1x64x128xf32, #tpu.memory_space<vmem>> -> memref<64x128xf32, #tpu.memory_space<vmem>>
    %dma_start3A_49 = arith.constant 64 : i32
    %dma_start3A_50 = tpu.memref_slice %arg5[%dma_start3A_49] : memref<256xi32, #tpu.memory_space<vmem>> -> memref<64xi32, #tpu.memory_space<vmem>>
    %dma_start3A_51 = arith.constant 0 : i32
    %dma_start3A_52 = arith.constant 0 : i32
    %dma_start3A_53 = tpu.memref_slice %arg2[%dma_start3A_51, %dma_start3A_52] : memref<100000x128xf32, #tpu.memory_space<hbm>> -> memref<100000x128xf32, #tpu.memory_space<hbm>>
    tpu.enqueue_indirect_dma source(%dma_start3A_53 : memref<100000x128xf32, #tpu.memory_space<hbm>>) target(%dma_start3A_48 : memref<64x128xf32, #tpu.memory_space<vmem>>) offsets(%dma_start3A_50 : memref<64xi32, #tpu.memory_space<vmem>>) semaphore(%arg8 : memref<!tpu.dma_semaphore, #tpu.memory_space<semaphore_mem>>)
    %dma_start3A_54 = arith.constant 2 : i32
    %dma_start3A_55 = arith.constant 0 : i32
    %dma_start3A_56 = arith.constant 0 : i32
    %dma_start3A_57 = tpu.memref_slice %arg6[%dma_start3A_54, %dma_start3A_55, %dma_start3A_56] : memref<4x64x128xf32, #tpu.memory_space<vmem>> -> memref<1x64x128xf32, #tpu.memory_space<vmem>>
    %dma_start3A_58 = tpu.memref_squeeze %dma_start3A_57 : memref<1x64x128xf32, #tpu.memory_space<vmem>> -> memref<64x128xf32, #tpu.memory_space<vmem>>
    %dma_start3A_59 = arith.constant 128 : i32
    %dma_start3A_60 = tpu.memref_slice %arg5[%dma_start3A_59] : memref<256xi32, #tpu.memory_space<vmem>> -> memref<64xi32, #tpu.memory_space<vmem>>
    %dma_start3A_61 = arith.constant 0 : i32
    %dma_start3A_62 = arith.constant 0 : i32
    %dma_start3A_63 = tpu.memref_slice %arg2[%dma_start3A_61, %dma_start3A_62] : memref<100000x128xf32, #tpu.memory_space<hbm>> -> memref<100000x128xf32, #tpu.memory_space<hbm>>
    tpu.enqueue_indirect_dma source(%dma_start3A_63 : memref<100000x128xf32, #tpu.memory_space<hbm>>) target(%dma_start3A_58 : memref<64x128xf32, #tpu.memory_space<vmem>>) offsets(%dma_start3A_60 : memref<64xi32, #tpu.memory_space<vmem>>) semaphore(%arg9 : memref<!tpu.dma_semaphore, #tpu.memory_space<semaphore_mem>>)
    %dma_start3A_64 = arith.constant 3 : i32
    %dma_start3A_65 = arith.constant 0 : i32
    %dma_start3A_66 = arith.constant 0 : i32
    %dma_start3A_67 = tpu.memref_slice %arg6[%dma_start3A_64, %dma_start3A_65, %dma_start3A_66] : memref<4x64x128xf32, #tpu.memory_space<vmem>> -> memref<1x64x128xf32, #tpu.memory_space<vmem>>
    %dma_start3A_68 = tpu.memref_squeeze %dma_start3A_67 : memref<1x64x128xf32, #tpu.memory_space<vmem>> -> memref<64x128xf32, #tpu.memory_space<vmem>>
    %dma_start3A_69 = arith.constant 192 : i32
    %dma_start3A_70 = tpu.memref_slice %arg5[%dma_start3A_69] : memref<256xi32, #tpu.memory_space<vmem>> -> memref<64xi32, #tpu.memory_space<vmem>>
    %dma_start3A_71 = arith.constant 0 : i32
    %dma_start3A_72 = arith.constant 0 : i32
    %dma_start3A_73 = tpu.memref_slice %arg2[%dma_start3A_71, %dma_start3A_72] : memref<100000x128xf32, #tpu.memory_space<hbm>> -> memref<100000x128xf32, #tpu.memory_space<hbm>>
    tpu.enqueue_indirect_dma source(%dma_start3A_73 : memref<100000x128xf32, #tpu.memory_space<hbm>>) target(%dma_start3A_68 : memref<64x128xf32, #tpu.memory_space<vmem>>) offsets(%dma_start3A_70 : memref<64xi32, #tpu.memory_space<vmem>>) semaphore(%arg10 : memref<!tpu.dma_semaphore, #tpu.memory_space<semaphore_mem>>)
    %dma_wait3A = arith.constant 0 : i32
    %dma_wait3A_74 = arith.constant 0 : i32
    %dma_wait3A_75 = arith.constant 0 : i32
    %dma_wait3A_76 = tpu.memref_slice %arg6[%dma_wait3A, %dma_wait3A_74, %dma_wait3A_75] : memref<4x64x128xf32, #tpu.memory_space<vmem>> -> memref<1x64x128xf32, #tpu.memory_space<vmem>>
    %dma_wait3A_77 = tpu.memref_squeeze %dma_wait3A_76 : memref<1x64x128xf32, #tpu.memory_space<vmem>> -> memref<64x128xf32, #tpu.memory_space<vmem>>
    %dma_wait3A_78 = arith.constant 0 : i32
    %dma_wait3A_79 = tpu.memref_slice %arg5[%dma_wait3A_78] : memref<256xi32, #tpu.memory_space<vmem>> -> memref<64xi32, #tpu.memory_space<vmem>>
    %dma_wait3A_80 = arith.constant 0 : i32
    %dma_wait3A_81 = arith.constant 0 : i32
    %dma_wait3A_82 = tpu.memref_slice %arg2[%dma_wait3A_80, %dma_wait3A_81] : memref<100000x128xf32, #tpu.memory_space<hbm>> -> memref<100000x128xf32, #tpu.memory_space<hbm>>
    tpu.wait_indirect_dma semaphore(%arg7 : memref<!tpu.dma_semaphore, #tpu.memory_space<semaphore_mem>>) src(%dma_wait3A_82 : memref<100000x128xf32, #tpu.memory_space<hbm>>) dst(%dma_wait3A_77 : memref<64x128xf32, #tpu.memory_space<vmem>>)
    %add3A_83 = arith.constant 0 : i32
    %add3A_84 = arith.addi %mul3A_34, %add3A_83 : i32
    %dma_start3A_85 = arith.constant 0 : i32
    %dma_start3A_86 = arith.constant 0 : i32
    %dma_start3A_87 = arith.constant 0 : i32
    %dma_start3A_88 = tpu.memref_slice %arg6[%dma_start3A_85, %dma_start3A_86, %dma_start3A_87] : memref<4x64x128xf32, #tpu.memory_space<vmem>> -> memref<1x64x128xf32, #tpu.memory_space<vmem>>
    %dma_start3A_89 = tpu.memref_squeeze %dma_start3A_88 : memref<1x64x128xf32, #tpu.memory_space<vmem>> -> memref<64x128xf32, #tpu.memory_space<vmem>>
    %dma_start3A_90 = arith.constant 0 : i32
    %dma_start3A_91 = tpu.memref_slice %arg4[%add3A_84, %dma_start3A_90] : memref<8192x128xf32, #tpu.memory_space<hbm>> -> memref<64x128xf32, #tpu.memory_space<hbm>>
    %dma_start3A_92 = arith.constant 0 : i32
    %dma_start3A_93 = tpu.memref_slice %arg4[%add3A_84, %dma_start3A_92] : memref<8192x128xf32, #tpu.memory_space<hbm>> -> memref<64x128xf32, #tpu.memory_space<hbm>>
    %dma_start3A_94 = arith.constant 0 : i32
    %dma_start3A_95 = arith.constant 0 : i32
    %dma_start3A_96 = tpu.memref_slice %arg6[%dma_start3A_85, %dma_start3A_94, %dma_start3A_95] : memref<4x64x128xf32, #tpu.memory_space<vmem>> -> memref<1x64x128xf32, #tpu.memory_space<vmem>>
    %dma_start3A_97 = tpu.memref_squeeze %dma_start3A_96 : memref<1x64x128xf32, #tpu.memory_space<vmem>> -> memref<64x128xf32, #tpu.memory_space<vmem>>
    tpu.enqueue_dma source(%dma_start3A_97 : memref<64x128xf32, #tpu.memory_space<vmem>>) target(%dma_start3A_93 : memref<64x128xf32, #tpu.memory_space<hbm>>) target_semaphore(%arg11 : memref<!tpu.dma_semaphore, #tpu.memory_space<semaphore_mem>>)
    %dma_wait3A_98 = arith.constant 1 : i32
    %dma_wait3A_99 = arith.constant 0 : i32
    %dma_wait3A_100 = arith.constant 0 : i32
    %dma_wait3A_101 = tpu.memref_slice %arg6[%dma_wait3A_98, %dma_wait3A_99, %dma_wait3A_100] : memref<4x64x128xf32, #tpu.memory_space<vmem>> -> memref<1x64x128xf32, #tpu.memory_space<vmem>>
    %dma_wait3A_102 = tpu.memref_squeeze %dma_wait3A_101 : memref<1x64x128xf32, #tpu.memory_space<vmem>> -> memref<64x128xf32, #tpu.memory_space<vmem>>
    %dma_wait3A_103 = arith.constant 64 : i32
    %dma_wait3A_104 = tpu.memref_slice %arg5[%dma_wait3A_103] : memref<256xi32, #tpu.memory_space<vmem>> -> memref<64xi32, #tpu.memory_space<vmem>>
    %dma_wait3A_105 = arith.constant 0 : i32
    %dma_wait3A_106 = arith.constant 0 : i32
    %dma_wait3A_107 = tpu.memref_slice %arg2[%dma_wait3A_105, %dma_wait3A_106] : memref<100000x128xf32, #tpu.memory_space<hbm>> -> memref<100000x128xf32, #tpu.memory_space<hbm>>
    tpu.wait_indirect_dma semaphore(%arg8 : memref<!tpu.dma_semaphore, #tpu.memory_space<semaphore_mem>>) src(%dma_wait3A_107 : memref<100000x128xf32, #tpu.memory_space<hbm>>) dst(%dma_wait3A_102 : memref<64x128xf32, #tpu.memory_space<vmem>>)
    %add3A_108 = arith.constant 64 : i32
    %add3A_109 = arith.addi %mul3A_34, %add3A_108 : i32
    %dma_start3A_110 = arith.constant 1 : i32
    %dma_start3A_111 = arith.constant 0 : i32
    %dma_start3A_112 = arith.constant 0 : i32
    %dma_start3A_113 = tpu.memref_slice %arg6[%dma_start3A_110, %dma_start3A_111, %dma_start3A_112] : memref<4x64x128xf32, #tpu.memory_space<vmem>> -> memref<1x64x128xf32, #tpu.memory_space<vmem>>
    %dma_start3A_114 = tpu.memref_squeeze %dma_start3A_113 : memref<1x64x128xf32, #tpu.memory_space<vmem>> -> memref<64x128xf32, #tpu.memory_space<vmem>>
    %dma_start3A_115 = arith.constant 0 : i32
    %dma_start3A_116 = tpu.memref_slice %arg4[%add3A_109, %dma_start3A_115] : memref<8192x128xf32, #tpu.memory_space<hbm>> -> memref<64x128xf32, #tpu.memory_space<hbm>>
    %dma_start3A_117 = arith.constant 0 : i32
    %dma_start3A_118 = tpu.memref_slice %arg4[%add3A_109, %dma_start3A_117] : memref<8192x128xf32, #tpu.memory_space<hbm>> -> memref<64x128xf32, #tpu.memory_space<hbm>>
    %dma_start3A_119 = arith.constant 0 : i32
    %dma_start3A_120 = arith.constant 0 : i32
    %dma_start3A_121 = tpu.memref_slice %arg6[%dma_start3A_110, %dma_start3A_119, %dma_start3A_120] : memref<4x64x128xf32, #tpu.memory_space<vmem>> -> memref<1x64x128xf32, #tpu.memory_space<vmem>>
    %dma_start3A_122 = tpu.memref_squeeze %dma_start3A_121 : memref<1x64x128xf32, #tpu.memory_space<vmem>> -> memref<64x128xf32, #tpu.memory_space<vmem>>
    tpu.enqueue_dma source(%dma_start3A_122 : memref<64x128xf32, #tpu.memory_space<vmem>>) target(%dma_start3A_118 : memref<64x128xf32, #tpu.memory_space<hbm>>) target_semaphore(%arg11 : memref<!tpu.dma_semaphore, #tpu.memory_space<semaphore_mem>>)
    %dma_wait3A_123 = arith.constant 2 : i32
    %dma_wait3A_124 = arith.constant 0 : i32
    %dma_wait3A_125 = arith.constant 0 : i32
    %dma_wait3A_126 = tpu.memref_slice %arg6[%dma_wait3A_123, %dma_wait3A_124, %dma_wait3A_125] : memref<4x64x128xf32, #tpu.memory_space<vmem>> -> memref<1x64x128xf32, #tpu.memory_space<vmem>>
    %dma_wait3A_127 = tpu.memref_squeeze %dma_wait3A_126 : memref<1x64x128xf32, #tpu.memory_space<vmem>> -> memref<64x128xf32, #tpu.memory_space<vmem>>
    %dma_wait3A_128 = arith.constant 128 : i32
    %dma_wait3A_129 = tpu.memref_slice %arg5[%dma_wait3A_128] : memref<256xi32, #tpu.memory_space<vmem>> -> memref<64xi32, #tpu.memory_space<vmem>>
    %dma_wait3A_130 = arith.constant 0 : i32
    %dma_wait3A_131 = arith.constant 0 : i32
    %dma_wait3A_132 = tpu.memref_slice %arg2[%dma_wait3A_130, %dma_wait3A_131] : memref<100000x128xf32, #tpu.memory_space<hbm>> -> memref<100000x128xf32, #tpu.memory_space<hbm>>
    tpu.wait_indirect_dma semaphore(%arg9 : memref<!tpu.dma_semaphore, #tpu.memory_space<semaphore_mem>>) src(%dma_wait3A_132 : memref<100000x128xf32, #tpu.memory_space<hbm>>) dst(%dma_wait3A_127 : memref<64x128xf32, #tpu.memory_space<vmem>>)
    %add3A_133 = arith.constant 128 : i32
    %add3A_134 = arith.addi %mul3A_34, %add3A_133 : i32
    %dma_start3A_135 = arith.constant 2 : i32
    %dma_start3A_136 = arith.constant 0 : i32
    %dma_start3A_137 = arith.constant 0 : i32
    %dma_start3A_138 = tpu.memref_slice %arg6[%dma_start3A_135, %dma_start3A_136, %dma_start3A_137] : memref<4x64x128xf32, #tpu.memory_space<vmem>> -> memref<1x64x128xf32, #tpu.memory_space<vmem>>
    %dma_start3A_139 = tpu.memref_squeeze %dma_start3A_138 : memref<1x64x128xf32, #tpu.memory_space<vmem>> -> memref<64x128xf32, #tpu.memory_space<vmem>>
    %dma_start3A_140 = arith.constant 0 : i32
    %dma_start3A_141 = tpu.memref_slice %arg4[%add3A_134, %dma_start3A_140] : memref<8192x128xf32, #tpu.memory_space<hbm>> -> memref<64x128xf32, #tpu.memory_space<hbm>>
    %dma_start3A_142 = arith.constant 0 : i32
    %dma_start3A_143 = tpu.memref_slice %arg4[%add3A_134, %dma_start3A_142] : memref<8192x128xf32, #tpu.memory_space<hbm>> -> memref<64x128xf32, #tpu.memory_space<hbm>>
    %dma_start3A_144 = arith.constant 0 : i32
    %dma_start3A_145 = arith.constant 0 : i32
    %dma_start3A_146 = tpu.memref_slice %arg6[%dma_start3A_135, %dma_start3A_144, %dma_start3A_145] : memref<4x64x128xf32, #tpu.memory_space<vmem>> -> memref<1x64x128xf32, #tpu.memory_space<vmem>>
    %dma_start3A_147 = tpu.memref_squeeze %dma_start3A_146 : memref<1x64x128xf32, #tpu.memory_space<vmem>> -> memref<64x128xf32, #tpu.memory_space<vmem>>
    tpu.enqueue_dma source(%dma_start3A_147 : memref<64x128xf32, #tpu.memory_space<vmem>>) target(%dma_start3A_143 : memref<64x128xf32, #tpu.memory_space<hbm>>) target_semaphore(%arg11 : memref<!tpu.dma_semaphore, #tpu.memory_space<semaphore_mem>>)
    %dma_wait3A_148 = arith.constant 3 : i32
    %dma_wait3A_149 = arith.constant 0 : i32
    %dma_wait3A_150 = arith.constant 0 : i32
    %dma_wait3A_151 = tpu.memref_slice %arg6[%dma_wait3A_148, %dma_wait3A_149, %dma_wait3A_150] : memref<4x64x128xf32, #tpu.memory_space<vmem>> -> memref<1x64x128xf32, #tpu.memory_space<vmem>>
    %dma_wait3A_152 = tpu.memref_squeeze %dma_wait3A_151 : memref<1x64x128xf32, #tpu.memory_space<vmem>> -> memref<64x128xf32, #tpu.memory_space<vmem>>
    %dma_wait3A_153 = arith.constant 192 : i32
    %dma_wait3A_154 = tpu.memref_slice %arg5[%dma_wait3A_153] : memref<256xi32, #tpu.memory_space<vmem>> -> memref<64xi32, #tpu.memory_space<vmem>>
    %dma_wait3A_155 = arith.constant 0 : i32
    %dma_wait3A_156 = arith.constant 0 : i32
    %dma_wait3A_157 = tpu.memref_slice %arg2[%dma_wait3A_155, %dma_wait3A_156] : memref<100000x128xf32, #tpu.memory_space<hbm>> -> memref<100000x128xf32, #tpu.memory_space<hbm>>
    tpu.wait_indirect_dma semaphore(%arg10 : memref<!tpu.dma_semaphore, #tpu.memory_space<semaphore_mem>>) src(%dma_wait3A_157 : memref<100000x128xf32, #tpu.memory_space<hbm>>) dst(%dma_wait3A_152 : memref<64x128xf32, #tpu.memory_space<vmem>>)
    %add3A_158 = arith.constant 192 : i32
    %add3A_159 = arith.addi %mul3A_34, %add3A_158 : i32
    %dma_start3A_160 = arith.constant 3 : i32
    %dma_start3A_161 = arith.constant 0 : i32
    %dma_start3A_162 = arith.constant 0 : i32
    %dma_start3A_163 = tpu.memref_slice %arg6[%dma_start3A_160, %dma_start3A_161, %dma_start3A_162] : memref<4x64x128xf32, #tpu.memory_space<vmem>> -> memref<1x64x128xf32, #tpu.memory_space<vmem>>
    %dma_start3A_164 = tpu.memref_squeeze %dma_start3A_163 : memref<1x64x128xf32, #tpu.memory_space<vmem>> -> memref<64x128xf32, #tpu.memory_space<vmem>>
    %dma_start3A_165 = arith.constant 0 : i32
    %dma_start3A_166 = tpu.memref_slice %arg4[%add3A_159, %dma_start3A_165] : memref<8192x128xf32, #tpu.memory_space<hbm>> -> memref<64x128xf32, #tpu.memory_space<hbm>>
    %dma_start3A_167 = arith.constant 0 : i32
    %dma_start3A_168 = tpu.memref_slice %arg4[%add3A_159, %dma_start3A_167] : memref<8192x128xf32, #tpu.memory_space<hbm>> -> memref<64x128xf32, #tpu.memory_space<hbm>>
    %dma_start3A_169 = arith.constant 0 : i32
    %dma_start3A_170 = arith.constant 0 : i32
    %dma_start3A_171 = tpu.memref_slice %arg6[%dma_start3A_160, %dma_start3A_169, %dma_start3A_170] : memref<4x64x128xf32, #tpu.memory_space<vmem>> -> memref<1x64x128xf32, #tpu.memory_space<vmem>>
    %dma_start3A_172 = tpu.memref_squeeze %dma_start3A_171 : memref<1x64x128xf32, #tpu.memory_space<vmem>> -> memref<64x128xf32, #tpu.memory_space<vmem>>
    tpu.enqueue_dma source(%dma_start3A_172 : memref<64x128xf32, #tpu.memory_space<vmem>>) target(%dma_start3A_168 : memref<64x128xf32, #tpu.memory_space<hbm>>) target_semaphore(%arg11 : memref<!tpu.dma_semaphore, #tpu.memory_space<semaphore_mem>>)
    %dma_wait3A_173 = arith.constant 0 : i32
    %dma_wait3A_174 = arith.constant 0 : i32
    %dma_wait3A_175 = arith.constant 0 : i32
    %dma_wait3A_176 = tpu.memref_slice %arg6[%dma_wait3A_173, %dma_wait3A_174, %dma_wait3A_175] : memref<4x64x128xf32, #tpu.memory_space<vmem>> -> memref<1x64x128xf32, #tpu.memory_space<vmem>>
    %dma_wait3A_177 = tpu.memref_squeeze %dma_wait3A_176 : memref<1x64x128xf32, #tpu.memory_space<vmem>> -> memref<64x128xf32, #tpu.memory_space<vmem>>
    %dma_wait3A_178 = arith.constant 0 : i32
    %dma_wait3A_179 = tpu.memref_slice %arg4[%add3A_84, %dma_wait3A_178] : memref<8192x128xf32, #tpu.memory_space<hbm>> -> memref<64x128xf32, #tpu.memory_space<hbm>>
    %dma_wait3A_180 = arith.constant 0 : i32
    %dma_wait3A_181 = tpu.memref_slice %arg4[%add3A_84, %dma_wait3A_180] : memref<8192x128xf32, #tpu.memory_space<hbm>> -> memref<64x128xf32, #tpu.memory_space<hbm>>
    %dma_wait3A_182 = arith.constant 0 : i32
    %dma_wait3A_183 = arith.constant 0 : i32
    %dma_wait3A_184 = tpu.memref_slice %arg6[%dma_wait3A_173, %dma_wait3A_182, %dma_wait3A_183] : memref<4x64x128xf32, #tpu.memory_space<vmem>> -> memref<1x64x128xf32, #tpu.memory_space<vmem>>
    %dma_wait3A_185 = tpu.memref_squeeze %dma_wait3A_184 : memref<1x64x128xf32, #tpu.memory_space<vmem>> -> memref<64x128xf32, #tpu.memory_space<vmem>>
    tpu.wait_dma2 semaphore(%arg11 : memref<!tpu.dma_semaphore, #tpu.memory_space<semaphore_mem>>) src(%dma_wait3A_185 : memref<64x128xf32, #tpu.memory_space<vmem>>) dst(%dma_wait3A_181 : memref<64x128xf32, #tpu.memory_space<hbm>>)
    %dma_wait3A_186 = arith.constant 1 : i32
    %dma_wait3A_187 = arith.constant 0 : i32
    %dma_wait3A_188 = arith.constant 0 : i32
    %dma_wait3A_189 = tpu.memref_slice %arg6[%dma_wait3A_186, %dma_wait3A_187, %dma_wait3A_188] : memref<4x64x128xf32, #tpu.memory_space<vmem>> -> memref<1x64x128xf32, #tpu.memory_space<vmem>>
    %dma_wait3A_190 = tpu.memref_squeeze %dma_wait3A_189 : memref<1x64x128xf32, #tpu.memory_space<vmem>> -> memref<64x128xf32, #tpu.memory_space<vmem>>
    %dma_wait3A_191 = arith.constant 0 : i32
    %dma_wait3A_192 = tpu.memref_slice %arg4[%add3A_109, %dma_wait3A_191] : memref<8192x128xf32, #tpu.memory_space<hbm>> -> memref<64x128xf32, #tpu.memory_space<hbm>>
    %dma_wait3A_193 = arith.constant 0 : i32
    %dma_wait3A_194 = tpu.memref_slice %arg4[%add3A_109, %dma_wait3A_193] : memref<8192x128xf32, #tpu.memory_space<hbm>> -> memref<64x128xf32, #tpu.memory_space<hbm>>
    %dma_wait3A_195 = arith.constant 0 : i32
    %dma_wait3A_196 = arith.constant 0 : i32
    %dma_wait3A_197 = tpu.memref_slice %arg6[%dma_wait3A_186, %dma_wait3A_195, %dma_wait3A_196] : memref<4x64x128xf32, #tpu.memory_space<vmem>> -> memref<1x64x128xf32, #tpu.memory_space<vmem>>
    %dma_wait3A_198 = tpu.memref_squeeze %dma_wait3A_197 : memref<1x64x128xf32, #tpu.memory_space<vmem>> -> memref<64x128xf32, #tpu.memory_space<vmem>>
    tpu.wait_dma2 semaphore(%arg11 : memref<!tpu.dma_semaphore, #tpu.memory_space<semaphore_mem>>) src(%dma_wait3A_198 : memref<64x128xf32, #tpu.memory_space<vmem>>) dst(%dma_wait3A_194 : memref<64x128xf32, #tpu.memory_space<hbm>>)
    %dma_wait3A_199 = arith.constant 2 : i32
    %dma_wait3A_200 = arith.constant 0 : i32
    %dma_wait3A_201 = arith.constant 0 : i32
    %dma_wait3A_202 = tpu.memref_slice %arg6[%dma_wait3A_199, %dma_wait3A_200, %dma_wait3A_201] : memref<4x64x128xf32, #tpu.memory_space<vmem>> -> memref<1x64x128xf32, #tpu.memory_space<vmem>>
    %dma_wait3A_203 = tpu.memref_squeeze %dma_wait3A_202 : memref<1x64x128xf32, #tpu.memory_space<vmem>> -> memref<64x128xf32, #tpu.memory_space<vmem>>
    %dma_wait3A_204 = arith.constant 0 : i32
    %dma_wait3A_205 = tpu.memref_slice %arg4[%add3A_134, %dma_wait3A_204] : memref<8192x128xf32, #tpu.memory_space<hbm>> -> memref<64x128xf32, #tpu.memory_space<hbm>>
    %dma_wait3A_206 = arith.constant 0 : i32
    %dma_wait3A_207 = tpu.memref_slice %arg4[%add3A_134, %dma_wait3A_206] : memref<8192x128xf32, #tpu.memory_space<hbm>> -> memref<64x128xf32, #tpu.memory_space<hbm>>
    %dma_wait3A_208 = arith.constant 0 : i32
    %dma_wait3A_209 = arith.constant 0 : i32
    %dma_wait3A_210 = tpu.memref_slice %arg6[%dma_wait3A_199, %dma_wait3A_208, %dma_wait3A_209] : memref<4x64x128xf32, #tpu.memory_space<vmem>> -> memref<1x64x128xf32, #tpu.memory_space<vmem>>
    %dma_wait3A_211 = tpu.memref_squeeze %dma_wait3A_210 : memref<1x64x128xf32, #tpu.memory_space<vmem>> -> memref<64x128xf32, #tpu.memory_space<vmem>>
    tpu.wait_dma2 semaphore(%arg11 : memref<!tpu.dma_semaphore, #tpu.memory_space<semaphore_mem>>) src(%dma_wait3A_211 : memref<64x128xf32, #tpu.memory_space<vmem>>) dst(%dma_wait3A_207 : memref<64x128xf32, #tpu.memory_space<hbm>>)
    %dma_wait3A_212 = arith.constant 3 : i32
    %dma_wait3A_213 = arith.constant 0 : i32
    %dma_wait3A_214 = arith.constant 0 : i32
    %dma_wait3A_215 = tpu.memref_slice %arg6[%dma_wait3A_212, %dma_wait3A_213, %dma_wait3A_214] : memref<4x64x128xf32, #tpu.memory_space<vmem>> -> memref<1x64x128xf32, #tpu.memory_space<vmem>>
    %dma_wait3A_216 = tpu.memref_squeeze %dma_wait3A_215 : memref<1x64x128xf32, #tpu.memory_space<vmem>> -> memref<64x128xf32, #tpu.memory_space<vmem>>
    %dma_wait3A_217 = arith.constant 0 : i32
    %dma_wait3A_218 = tpu.memref_slice %arg4[%add3A_159, %dma_wait3A_217] : memref<8192x128xf32, #tpu.memory_space<hbm>> -> memref<64x128xf32, #tpu.memory_space<hbm>>
    %dma_wait3A_219 = arith.constant 0 : i32
    %dma_wait3A_220 = tpu.memref_slice %arg4[%add3A_159, %dma_wait3A_219] : memref<8192x128xf32, #tpu.memory_space<hbm>> -> memref<64x128xf32, #tpu.memory_space<hbm>>
    %dma_wait3A_221 = arith.constant 0 : i32
    %dma_wait3A_222 = arith.constant 0 : i32
    %dma_wait3A_223 = tpu.memref_slice %arg6[%dma_wait3A_212, %dma_wait3A_221, %dma_wait3A_222] : memref<4x64x128xf32, #tpu.memory_space<vmem>> -> memref<1x64x128xf32, #tpu.memory_space<vmem>>
    %dma_wait3A_224 = tpu.memref_squeeze %dma_wait3A_223 : memref<1x64x128xf32, #tpu.memory_space<vmem>> -> memref<64x128xf32, #tpu.memory_space<vmem>>
    tpu.wait_dma2 semaphore(%arg11 : memref<!tpu.dma_semaphore, #tpu.memory_space<semaphore_mem>>) src(%dma_wait3A_224 : memref<64x128xf32, #tpu.memory_space<vmem>>) dst(%dma_wait3A_220 : memref<64x128xf32, #tpu.memory_space<hbm>>)
    return
  }
}

module attributes {stable_mosaic.version = 14 : i64} {
  func.func @_dense_body(%arg0: i32, %arg1: memref<2048x128xf32, #tpu.memory_space<vmem>>, %arg2: memref<2048x128xf32, #tpu.memory_space<vmem>>, %arg3: memref<2048x1xf32, #tpu.memory_space<vmem>>, %arg4: memref<2x128xf32, #tpu.memory_space<vmem>>, %arg5: memref<1x128xf32, #tpu.memory_space<vmem>>, %arg6: memref<1x128xf32, #tpu.memory_space<vmem>>, %arg7: memref<128x768xf32, #tpu.memory_space<vmem>>, %arg8: memref<1x768xf32, #tpu.memory_space<vmem>>, %arg9: memref<2048x768xf32, #tpu.memory_space<vmem>>) attributes {dimension_semantics = [#tpu.dimension_semantics<arbitrary>], iteration_bounds = array<i64: 4>, scalar_prefetch = 0 : i64, scratch_operands = 0 : i64, tpu.core_type = #tpu.core_type<tc>, window_params = [{transform_indices = @transform_0, window_bounds = array<i64: 2048, 128>}, {pipeline_mode = #tpu.pipeline_mode<synchronous>, transform_indices = @transform_1, window_bounds = array<i64: 2048, 128>}, {transform_indices = @transform_2, window_bounds = array<i64: 2048, 1>}, {pipeline_mode = #tpu.pipeline_mode<synchronous>, transform_indices = @transform_3, window_bounds = array<i64: 2, 128>}, {pipeline_mode = #tpu.pipeline_mode<synchronous>, transform_indices = @transform_4, window_bounds = array<i64: 1, 128>}, {pipeline_mode = #tpu.pipeline_mode<synchronous>, transform_indices = @transform_5, window_bounds = array<i64: 1, 128>}, {pipeline_mode = #tpu.pipeline_mode<synchronous>, transform_indices = @transform_6, window_bounds = array<i64: 128, 768>}, {pipeline_mode = #tpu.pipeline_mode<synchronous>, transform_indices = @transform_7, window_bounds = array<i64: 1, 768>}, {transform_indices = @transform_8, window_bounds = array<i64: 2048, 768>}]} {
    %get3A = arith.constant 0 : index
    %get3A_0 = arith.constant 0 : index
    %get3A_1 = vector.load %arg3[%get3A, %get3A_0] : memref<2048x1xf32, #tpu.memory_space<vmem>>, vector<2048x1xf32>
    %get3A_2 = arith.constant 0 : index
    %get3A_3 = arith.constant 0 : index
    %get3A_4 = vector.load %arg4[%get3A_2, %get3A_3] : memref<2x128xf32, #tpu.memory_space<vmem>>, vector<1x128xf32>
    %get3A_5 = arith.constant 1 : index
    %get3A_6 = arith.constant 0 : index
    %get3A_7 = vector.load %arg4[%get3A_5, %get3A_6] : memref<2x128xf32, #tpu.memory_space<vmem>>, vector<1x128xf32>
    %get3A_8 = arith.constant 0 : index
    %get3A_9 = arith.constant 0 : index
    %get3A_10 = vector.load %arg1[%get3A_8, %get3A_9] : memref<2048x128xf32, #tpu.memory_space<vmem>>, vector<2048x128xf32>
    %get3A_11 = arith.constant 0 : index
    %get3A_12 = arith.constant 0 : index
    %get3A_13 = vector.load %arg2[%get3A_11, %get3A_12] : memref<2048x128xf32, #tpu.memory_space<vmem>>, vector<2048x128xf32>
    %add3A = arith.addf %get3A_10, %get3A_13 : vector<2048x128xf32>
    %sub3A = arith.subf %get3A_7, %get3A_4 : vector<1x128xf32>
    %mul3A = vector.broadcast %get3A_1 : vector<2048x1xf32> to vector<2048x128xf32>
    %mul3A_14 = vector.broadcast %sub3A : vector<1x128xf32> to vector<2048x128xf32>
    %mul3A_15 = arith.mulf %mul3A, %mul3A_14 : vector<2048x128xf32>
    %add3A_16 = vector.broadcast %get3A_4 : vector<1x128xf32> to vector<2048x128xf32>
    %add3A_17 = arith.addf %add3A_16, %mul3A_15 : vector<2048x128xf32>
    %add3A_18 = arith.addf %add3A, %add3A_17 : vector<2048x128xf32>
    %reduce_sum3A = arith.constant dense<0.000000e+00> : vector<2048xf32>
    %reduce_sum3A_19 = vector.multi_reduction <add>, %add3A_18, %reduce_sum3A [1] : vector<2048x128xf32> to vector<2048xf32>
    %broadcast_in_dim3A = vector.shape_cast %reduce_sum3A_19 : vector<2048xf32> to vector<2048x1xf32>
    %div3A = arith.constant 1.280000e+02 : f32
    %div3A_20 = vector.broadcast %div3A : f32 to vector<2048x1xf32>
    %div3A_21 = arith.divf %broadcast_in_dim3A, %div3A_20 : vector<2048x1xf32>
    %sub3A_22 = vector.broadcast %div3A_21 : vector<2048x1xf32> to vector<2048x128xf32>
    %sub3A_23 = arith.subf %add3A_18, %sub3A_22 : vector<2048x128xf32>
    %mul3A_24 = arith.mulf %sub3A_23, %sub3A_23 : vector<2048x128xf32>
    %reduce_sum3A_25 = arith.constant dense<0.000000e+00> : vector<2048xf32>
    %reduce_sum3A_26 = vector.multi_reduction <add>, %mul3A_24, %reduce_sum3A_25 [1] : vector<2048x128xf32> to vector<2048xf32>
    %broadcast_in_dim3A_27 = vector.shape_cast %reduce_sum3A_26 : vector<2048xf32> to vector<2048x1xf32>
    %div3A_28 = arith.constant 1.280000e+02 : f32
    %div3A_29 = vector.broadcast %div3A_28 : f32 to vector<2048x1xf32>
    %div3A_30 = arith.divf %broadcast_in_dim3A_27, %div3A_29 : vector<2048x1xf32>
    %add3A_31 = arith.constant 9.99999996E-13 : f32
    %add3A_32 = vector.broadcast %add3A_31 : f32 to vector<2048x1xf32>
    %add3A_33 = arith.addf %div3A_30, %add3A_32 : vector<2048x1xf32>
    %rsqrt3A = math.rsqrt %add3A_33 : vector<2048x1xf32>
    %mul3A_34 = vector.broadcast %rsqrt3A : vector<2048x1xf32> to vector<2048x128xf32>
    %mul3A_35 = arith.mulf %sub3A_23, %mul3A_34 : vector<2048x128xf32>
    %get3A_36 = arith.constant 0 : index
    %get3A_37 = arith.constant 0 : index
    %get3A_38 = vector.load %arg5[%get3A_36, %get3A_37] : memref<1x128xf32, #tpu.memory_space<vmem>>, vector<1x128xf32>
    %mul3A_39 = vector.broadcast %get3A_38 : vector<1x128xf32> to vector<2048x128xf32>
    %mul3A_40 = arith.mulf %mul3A_35, %mul3A_39 : vector<2048x128xf32>
    %get3A_41 = arith.constant 0 : index
    %get3A_42 = arith.constant 0 : index
    %get3A_43 = vector.load %arg6[%get3A_41, %get3A_42] : memref<1x128xf32, #tpu.memory_space<vmem>>, vector<1x128xf32>
    %add3A_44 = vector.broadcast %get3A_43 : vector<1x128xf32> to vector<2048x128xf32>
    %add3A_45 = arith.addf %mul3A_40, %add3A_44 : vector<2048x128xf32>
    %get3A_46 = arith.constant 0 : index
    %get3A_47 = arith.constant 0 : index
    %get3A_48 = vector.load %arg7[%get3A_46, %get3A_47] : memref<128x768xf32, #tpu.memory_space<vmem>>, vector<128x768xf32>
    %dot_general3A = arith.constant dense<0.000000e+00> : vector<2048x768xf32>
    %dot_general3A_49 = tpu.matmul %add3A_45, %get3A_48, %dot_general3A {dimension_numbers = #tpu.dot_dimension_numbers<[1], [0], [0], [1], [0, 0, 1, 1], [], []>, transpose_lhs_hint = false} : vector<2048x128xf32>, vector<128x768xf32>, vector<2048x768xf32> -> vector<2048x768xf32>
    %get3A_50 = arith.constant 0 : index
    %get3A_51 = arith.constant 0 : index
    %get3A_52 = vector.load %arg8[%get3A_50, %get3A_51] : memref<1x768xf32, #tpu.memory_space<vmem>>, vector<1x768xf32>
    %add3A_53 = vector.broadcast %get3A_52 : vector<1x768xf32> to vector<2048x768xf32>
    %add3A_54 = arith.addf %dot_general3A_49, %add3A_53 : vector<2048x768xf32>
    %swap3A = arith.constant 0 : index
    %swap3A_55 = arith.constant 0 : index
    %swap3A_56 = vector.load %arg9[%swap3A, %swap3A_55] : memref<2048x768xf32, #tpu.memory_space<vmem>>, vector<2048x768xf32>
    tpu.vector_store %arg9[%swap3A, %swap3A_55], %add3A_54 {strides = array<i32>} : memref<2048x768xf32, #tpu.memory_space<vmem>>, vector<2048x768xf32>,
    return
  }
  func.func @transform_0(%arg0: i32) -> (i32, i32) {
    %c0_i32 = arith.constant 0 : i32
    %c0_i32_0 = arith.constant 0 : i32
    return %arg0, %c0_i32 : i32, i32
  }
  func.func @transform_1(%arg0: i32) -> (i32, i32) {
    %c0_i32 = arith.constant 0 : i32
    %c0_i32_0 = arith.constant 0 : i32
    %c0_i32_1 = arith.constant 0 : i32
    return %c0_i32, %c0_i32_0 : i32, i32
  }
  func.func @transform_2(%arg0: i32) -> (i32, i32) {
    %c0_i32 = arith.constant 0 : i32
    %c0_i32_0 = arith.constant 0 : i32
    return %arg0, %c0_i32 : i32, i32
  }
  func.func @transform_3(%arg0: i32) -> (i32, i32) {
    %c0_i32 = arith.constant 0 : i32
    %c0_i32_0 = arith.constant 0 : i32
    %c0_i32_1 = arith.constant 0 : i32
    return %c0_i32, %c0_i32_0 : i32, i32
  }
  func.func @transform_4(%arg0: i32) -> (i32, i32) {
    %c0_i32 = arith.constant 0 : i32
    %c0_i32_0 = arith.constant 0 : i32
    %c0_i32_1 = arith.constant 0 : i32
    return %c0_i32, %c0_i32_0 : i32, i32
  }
  func.func @transform_5(%arg0: i32) -> (i32, i32) {
    %c0_i32 = arith.constant 0 : i32
    %c0_i32_0 = arith.constant 0 : i32
    %c0_i32_1 = arith.constant 0 : i32
    return %c0_i32, %c0_i32_0 : i32, i32
  }
  func.func @transform_6(%arg0: i32) -> (i32, i32) {
    %c0_i32 = arith.constant 0 : i32
    %c0_i32_0 = arith.constant 0 : i32
    %c0_i32_1 = arith.constant 0 : i32
    return %c0_i32, %c0_i32_0 : i32, i32
  }
  func.func @transform_7(%arg0: i32) -> (i32, i32) {
    %c0_i32 = arith.constant 0 : i32
    %c0_i32_0 = arith.constant 0 : i32
    %c0_i32_1 = arith.constant 0 : i32
    return %c0_i32, %c0_i32_0 : i32, i32
  }
  func.func @transform_8(%arg0: i32) -> (i32, i32) {
    %c0_i32 = arith.constant 0 : i32
    %c0_i32_0 = arith.constant 0 : i32
    return %arg0, %c0_i32 : i32, i32
  }
}

</mosaic_0001>

<sc_bundles>
// kernel: kernel.4.cloned.1.call-start
scs
__scs_entry_jumppad:
0x0: {  	(pc) =	sbr.rel $0x88, $3  }
0x1: {  	(tag) =	ssettag $0x0;
	lr =	simm.s32 $0x1  }
0x2: {  	[smem:$0x3F98] =	sst lr;
	_ =	strace $0xD0000000  }
0x3: {  	_ = 	snop  }
0x4: {  	_ = 	snop  }
0x5: {  	_ = 	snop  }
0x6: {  	_ = 	snop  }
0x7: {  	_ = 	snop  }
__scs_overlays_trampoline_lowered:
0x8: {  	[smem:$0x3FA7] =	sst s0  }
0x9: {  	[smem:$0x3FA8] =	sst s1  }
0xa: {  	[smem:$0x3FA9] =	sst s2  }
0xb: {  	[smem:$0x3FAA] =	sst s3  }
0xc: {  	[smem:$0x3FAB] =	sst s4  }
0xd: {  	[smem:$0x3FAC] =	sst s5  }
0xe: {  	[smem:$0x3FAD] =	sst s6  }
0xf: {  	[smem:$0x3FAE] =	sst s7  }
0x10: {  	[smem:$0x3FAF] =	sst s8  }
0x11: {  	[smem:$0x3FB0] =	sst s9;
	s0 =	simm.s32 @!p0 $0x0  }
0x12: {  	s1 =	sld [smem:$0x3F96];
	s0 =	simm.s32 @p0 $0x1  }
0x13: {  	[smem:$0x3FB1] =	sst s0;
	s0 =	simm.s32 @!p1 $0x0  }
0x14: {  	s2 =	sld [smem:$0x3F95];
	s0 =	simm.s32 @p1 $0x1  }
0x15: {  	[smem:$0x3FB2] =	sst s0;
	s0 =	simm.s32 @!p2 $0x0  }
0x16: {  	s3 =	sld [smem:$0x3FDB];
	s0 =	simm.s32 @p2 $0x1  }
0x17: {  	s4 =	simm.s32 $0x1BF5;
	[smem:$0x3FB4] =	sst s0  }
0x18: {  	s0 =	sld [smem:$0x3F97];
	_ =	swait.ge [sflag:s4], $0x0  }
0x19: {  	s7 =	sld [smem:$0x3F98]  }
0x1a: {  	s8 =	sadd.s32 $0xFFFFE003, lr  }
0x1b: {  	s9 =	sadd.s32 $0xFFFFFEF7, lr;
	s5 =	simm.s32 $0xFFFFFFFF;
	p2 =	slt.u32 s8, $0xFFFFF086  }
0x1c: {  	p1 =	slt.u32 s9, $0xF7A;
	s5 =	simm.s32 @!p2 $0x0  }
0x1d: {  	s5 =	simm.s32 @p1 $0x1;
	p0 =	seq.s32 s7, s2  }
0x1e: {  	s7 =	smul.u32 @!p0 $0xF7A, s2;
	p2 =	seq.s32 @!p0 s5, $0x0  }
0x1f: {  	s9 =	smul.u32 $0xF7A, s1;
	s8 =	simm.s32 @!p0 $0x1BF5;
	p2 =	por !p2, p0  }
0x20: {  	[sflag:s8] =	ssyncset.s32 @!p0 $0xFFFFF086;
	s6 =	sadd.s32 @!p0 s3, s7;
	s7 =	simm.s32 @!p0 $0x108  }
0x21: {  	s3 =	sadd.s32 s3, s9;
	s6 =	sadd.s32 @!p0 $0x88, s6;
	s7 =	simm.s32 @p2 $0x1082  }
0x22: {  	[simem:s7], [sflag:s8] =	dma.local @!p0 [hbm:s6], $0xF7A  }
0x23: {  	s9 =	sor.u32 $0xD0000000, s2;
	s6 =	simm.s32 $0x108;
	_ =	swait.ge @!p0 [sflag:s8], $0x0  }
0x24: {  	s3 =	sadd.s32 $0x88, s3;
	s6 =	simm.s32 @!p1 $0x1082;
	[sflag:s4] =	ssyncset.s32 $0xFFFFF086  }
0x25: {  	[simem:s6], [sflag:s4] =	dma.local [hbm:s3], $0xF7A  }
0x26: {  	[smem:$0x3F98] =	sst s1;
	(tag) =	ssettag s2;
	_ =	strace s9  }
0x27: {  	s1 =	sld [smem:$0x3FA8]  }
0x28: {  	s2 =	sld [smem:$0x3FA9]  }
0x29: {  	s4 =	sld [smem:$0x3FAB]  }
0x2a: {  	p0 =	seq.s32 s5, $0x0;
	s5 =	sld [smem:$0x3FAC]  }
0x2b: {  	s6 =	sld [smem:$0x3FAD]  }
0x2c: {  	s7 =	sld [smem:$0x3FAE]  }
0x2d: {  	s3 =	simm.s32 $0x108;
	s8 =	sld [smem:$0x3FAF]  }
0x2e: {  	s3 =	simm.s32 @!p0 $0x1082;
	s9 =	sld [smem:$0x3FB0]  }
0x2f: {  	lr =	sadd.s32 s0, s3;
	s0 =	sld [smem:$0x3FA7]  }
0x30: {  	s3 =	sld [smem:$0x3FAA]  }
0x31: {  	[smem:$0x3FB3] =	sst s10  }
0x32: {  	s10 =	sld [smem:$0x3FB1];
	_ =	sdelay $0x3  }
0x33: {  	p0 =	seq.s32 s10, $0x1;
	s10 =	sld [smem:$0x3FB3];
	_ =	sdelay $0x3  }
0x34: {  	[smem:$0x3FB3] =	sst s10  }
0x35: {  	s10 =	sld [smem:$0x3FB2];
	_ =	sdelay $0x3  }
0x36: {  	p1 =	seq.s32 s10, $0x1;
	s10 =	sld [smem:$0x3FB3];
	_ =	sdelay $0x3  }
0x37: {  	[smem:$0x3FB3] =	sst s10  }
0x38: {  	s10 =	sld [smem:$0x3FB4]  }
0x39: {  	_ = 	snop;
	(pc) =	sbr.ind lr, $3  }
0x3a: {  	_ = 	snop  }
0x3b: {  	_ = 	snop  }
0x3c: {  	p2 =	seq.s32 s10, $0x1;
	s10 =	sld [smem:$0x3FB3]  }
0x3d: {  	_ =	shalt  }
0x3e: {  	_ =	shalt  }
0x3f: {  	_ =	shalt  }
0x40: {  	_ =	shalt  }
0x41: {  	_ =	shalt  }
0x42: {  	_ =	shalt  }
0x43: {  	_ =	shalt  }
0x44: {  	_ =	shalt  }
0x45: {  	_ =	shalt  }
0x46: {  	_ =	shalt  }
0x47: {  	_ =	shalt  }
0x48: {  	_ =	shalt  }
0x49: {  	_ =	shalt  }
0x4a: {  	_ =	shalt  }
0x4b: {  	_ =	shalt  }
0x4c: {  	_ =	shalt  }
0x4d: {  	_ =	shalt  }
0x4e: {  	_ =	shalt  }
0x4f: {  	_ =	shalt  }
0x50: {  	_ =	shalt  }
0x51: {  	_ =	shalt  }
0x52: {  	_ =	shalt  }
0x53: {  	_ =	shalt  }
0x54: {  	_ =	shalt  }
0x55: {  	_ =	shalt  }
0x56: {  	_ =	shalt  }
0x57: {  	_ =	shalt  }
0x58: {  	_ =	shalt  }
0x59: {  	_ =	shalt  }
0x5a: {  	_ =	shalt  }
0x5b: {  	_ =	shalt  }
0x5c: {  	_ =	shalt  }
0x5d: {  	_ =	shalt  }
0x5e: {  	_ =	shalt  }
0x5f: {  	_ =	shalt  }
0x60: {  	_ =	shalt  }
0x61: {  	_ =	shalt  }
0x62: {  	_ =	shalt  }
0x63: {  	_ =	shalt  }
0x64: {  	_ =	shalt  }
0x65: {  	_ =	shalt  }
0x66: {  	_ =	shalt  }
0x67: {  	_ =	shalt  }
0x68: {  	_ =	shalt  }
0x69: {  	_ =	shalt  }
0x6a: {  	_ =	shalt  }
0x6b: {  	_ =	shalt  }
0x6c: {  	_ =	shalt  }
0x6d: {  	_ =	shalt  }
0x6e: {  	_ =	shalt  }
0x6f: {  	_ =	shalt  }
0x70: {  	_ =	shalt  }
0x71: {  	_ =	shalt  }
0x72: {  	_ =	shalt  }
0x73: {  	_ =	shalt  }
0x74: {  	_ =	shalt  }
0x75: {  	_ =	shalt  }
0x76: {  	_ =	shalt  }
0x77: {  	_ =	shalt  }
0x78: {  	_ =	shalt  }
0x79: {  	_ =	shalt  }
0x7a: {  	_ =	shalt  }
0x7b: {  	_ =	shalt  }
0x7c: {  	_ =	shalt  }
0x7d: {  	_ =	shalt  }
0x7e: {  	_ =	shalt  }
0x7f: {  	_ =	shalt  }
0x80: {  	_ =	shalt  }
0x81: {  	_ =	shalt  }
0x82: {  	_ =	shalt  }
0x83: {  	_ =	shalt  }
0x84: {  	_ =	shalt  }
0x85: {  	_ =	shalt  }
0x86: {  	_ =	shalt  }
0x87: {  	_ =	shalt  }
.Lfunc_end0:
.L_simem_size_0:
called_computation_lowered:
.L_overlay_start_0:
0x88: {  	s2 =	sld [smem:$0x3FD9]  }
0x89: {  	s3 =	sld [smem:$0x3FFE];
	_ =	sdelay $0x1  }
0x8a: {  	s1 =	srdreg.scid  }
0x8b: {  	s0 =	sand.u32 $0x1, s1  }
0x8c: {  	s18 =	sshll.u32 s0, $0xA;
	s2 =	sadd.s32 s3, s2  }
0x8d: {  	s2 =	sadd.s32 s2, s18  }
0x8e: {  	[smem:$0x3FBF] =	sst s2  }
0x8f: {  	_ = 	snop  }
0x90: {  	s2 =	sld [smem:$0x3FC9]  }
0x91: {  	s19 =	sld [smem:$0x3FC7]  }
0x92: {  	s4 =	sld [smem:$0x3FD0];
	(tm) =	ssettm $0x1  }
0x93: {  	s5 =	sld [smem:$0x3FFB];
	_ =	sdelay $0x3  }
0x94: {  	_ =	strace s5  }
0x95: {  	s5 =	sld [smem:$0x3FFC];
	_ =	sdelay $0x3  }
0x96: {  	_ =	strace s5  }
0x97: {  	s5 =	sld [smem:$0x3FFD];
	_ =	sdelay $0x3  }
0x98: {  	_ =	strace s5  }
0x99: {  	_ =	strace $0x8FFFFFFF  }
0x9a: {  	s20 =	sld [smem:$0x3FDB];
	_ =	sdelay $0x1  }
0x9b: {  	s6 =	simm.s32 $_scs_section_size  }
0x9c: {  	s7 =	simm.s32 $_size__tile_overlayer_lowered;
	s8 =	simm.s32 $_tile_overlayer_lowered  }
0x9d: {  	s23 =	simm.s32 $0x1BFF;
	s22 =	sshll.u32 s8, $0x1;
	s5 =	sadd.s32 s6, s20  }
0x9e: {  	s9 =	simm.s32 $0x0;
	s21 =	sshll.u32 s7, $0x1;
	s7 =	sadd.s32 s22, s5  }
0x9f: {  	[timem:s9], [sflag:s23] =	dma.local [hbm:s7], s21  }
0xa0: {  	_ =	swait.ge [sflag:s23], s21  }
0xa1: {  	s6 =	ssub.s32 $0x0, s21;
	[sflag:s23] =	ssyncset.done $0x0  }
0xa2: {  	[sflag:s23] =	ssyncadd.s32 s6;
	_ =	sdelay $0x1  }
0xa3: {  	s24 =	simm.s32 $0x1B8B  }
0xa4: {  	_ =	swait.ge [sflag:s24], $0x1  }
0xa5: {  	[sflag:s24] =	ssyncset.done $0x0  }
0xa6: {  	s25 =	simm.s32 $0x1B8E;
	[sflag:s24] =	ssyncadd.s32 $0xFFFFFFFF  }
0xa7: {  	s26 =	simm.s32 $execute0_lowered;
	[smem:$0x3FD2] =	sst s25  }
0xa8: {  	s6 =	sshll.u32 s26, $0x1;
	_ =	strace $0x80000046;
	[dreg:$0x1] =	wrdreg $0xFFFFFFFF  }
0xa9: {  	s28 =	simm.s32 $_size_execute0_lowered;
	s5 =	sadd.s32 s5, s6;
	[dreg:$0x0] =	wrdreg $0x0  }
0xaa: {  	s6 =	sshll.u32 s28, $0x1;
	[dreg:$0x2] =	wrdreg s5  }
0xab: {  	[dreg:$0x3] =	wrdreg s6  }
0xac: {  	[dreg:$0x4] =	wrdreg $0xC0  }
0xad: {  	_ =	task [dreg:s9], $0x5FFFF  }
0xae: {  	[dreg:$0x1] =	wrdreg $0xFFFFFFFF  }
0xaf: {  	[dreg:$0x0] =	wrdreg $0x60  }
0xb0: {  	[dreg:$0x2] =	wrdreg s19  }
0xb1: {  	[dreg:$0x3] =	wrdreg s2  }
0xb2: {  	[dreg:$0x4] =	wrdreg s4  }
0xb3: {  	[dreg:$0x5] =	wrdreg $0x9  }
0xb4: {  	_ =	task.clear_ibuf [dreg:s9], $0x6FFFF;
	_ =	strace $0x90000046  }
0xb5: {  	s29 =	simm.s32 $0x9;
	_ =	strace $0x80000048  }
0xb6: {  	_ =	swait.ge [sflag:s29], $0x1  }
0xb7: {  	[sflag:s29] =	ssyncadd.s32 $0xFFFFFFFF  }
0xb8: {  	_ =	strace $0x90000048  }
0xb9: {  	_ =	sfence  }
0xba: {  	s30 =	sld [smem:$0x0];
	_ =	sdelay $0x2  }
0xbb: {  	s31 =	sshll.u32 s1, $0xD;
	s1 =	sshrl.u32 s1, $0x2  }
0xbc: {  	s3 =	sand.u32 $0x4000, s31;
	s1 =	sadd.s32 s1, s30  }
0xbd: {  	s0 =	sor.u32 s3, s0;
	s1 =	sshll.u32 s1, $0x11  }
0xbe: {  	s0 =	sor.u32 s1, s0  }
0xbf: {  	s0 =	sadd.s32 $0x8F2B, s0  }
0xc0: {  	[sflag:s0] =	ssyncadd.remote.s32 $0x1  }
0xc1: {  	_ =	sfence.sel $0xFFFF  }
0xc2: {  	[dreg:$0x0] =	wrdreg $0xFFFFFFFF;
	(pc) =	sbr.abs _section_cstart, $3  }
0xc3: {  	[dreg:$0x1] =	wrdreg $0xFFFFFFFF  }
0xc4: {  	_ =	task.clear_ibuf [dreg:s9], $0x2FFFF;
	_ =	strace $0x9FFFFFFF  }
0xc5: {  	(tm) =	ssettm $0x7FFFFFFF  }
tec
execute0_lowered:
.L_overlay_start_1:
0x0: {  	(tag) =	ssettag $0x1  }
0x1: {  	s2 =	rddreg [dreg:$0x0]  }
0x2: {  	s4 =	rddreg [dreg:$0x1];
	s1 =	srdreg.scid  }
0x3: {  	s0 =	stileid.u32;
	s15 =	rddreg [dreg:$0x2];
	s7 =	simm.s32 $0x6  }
0x4: {  	s23 =	sand.u32 $0x1, s1;
	s3 =	sshll.u32 s0, $0x1;
	s1 =	rddreg [dreg:$0x3]  }
0x5: {  	s5 =	sshll.u32 s0, $0x2;
	s16 =	sor.u32 s23, s3;
	s3 =	simm.s32 $0x0  }
0x6: {  	s5 =	sand.u32 $0x30, s5;
	s6 =	sshll.u32 s16, $0x7;
	[smem:$0x7FF] =	sst s3  }
0x7: {  	s4 =	sadd.s32 s4, s5;
	s5 =	simm.s32 $0x80;
	s6 =	sand.u32 $0x380, s6  }
0x8: {  	_ =	strace $0x80000047;
	s4 =	sadd.s32 s6, s4;
	s6 =	simm.s32 $0x200  }
0x9: {  	[tilespmem:s3], [sflag:$0x6] =	stream.strided.gather [hbm4b:s4+s5], $0x100, s6, s5, $0x38;
	[tilespmem:$0x8100] =	vst v63  }
0xa: {  	_ =	swait.ge [sflag:s7], $0x100  }
0xb: {  	[sflag:s7] =	ssyncset.done $0x0  }
0xc: {  	s8 =	simm.s32 $0x40;
	s9 =	simm.s32 $0x100;
	[sflag:s7] =	ssyncadd.s32 $0xFFFFFF00  }
0xd: {  	[tilespmem:s9], [sflag:$0x1] =	stream.indirect.gather [hbm4b:s2+s8], $0x80, s3, s8, $0xb8;
	[tilespmem:$0x8100] =	vst v63  }
0xe: {  	s10 =	simm.s32 $0x2100  }
0xf: {  	[tilespmem:s10], [sflag:$0x2] =	stream.indirect.gather [hbm4b:s2+s8], $0x80, s8, s8, $0xb8;
	[tilespmem:$0x8100] =	vst v63  }
0x10: {  	s11 =	simm.s32 $0x4100  }
0x11: {  	[tilespmem:s11], [sflag:$0x3] =	stream.indirect.gather [hbm4b:s2+s8], $0x80, s5, s8, $0xb8;
	[tilespmem:$0x8100] =	vst v63  }
0x12: {  	s12 =	simm.s32 $0xC0;
	s13 =	simm.s32 $0x6100;
	s14 =	simm.s32 $0x1  }
0x13: {  	[tilespmem:s13], [sflag:$0x4] =	stream.indirect.gather [hbm4b:s2+s8], $0x80, s12, s8, $0xb8;
	[tilespmem:$0x8100] =	vst v63  }
0x14: {  	_ =	swait.ge [sflag:s14], $0x2000  }
0x15: {  	s16 =	sshll.u32 s16, $0xC;
	[sflag:s14] =	ssyncset.done $0x0  }
0x16: {  	s15 =	sadd.s32 s15, s16;
	s16 =	simm.s32 $0x2;
	[sflag:s14] =	ssyncadd.s32 $0xFFFFE000  }
0x17: {  	[hbm4b:s15+s3] =	stream.linear.scatter [tilespmem:s9], [sflag:$0x5], $0x2000, $0x38;
	[tilespmem:$0x8100] =	vst v63  }
0x18: {  	_ =	swait.ge [sflag:s16], $0x2000  }
0x19: {  	[sflag:s16] =	ssyncset.done $0x0  }
0x1a: {  	s18 =	simm.s32 $0x3;
	s17 =	sadd.s32 $0x400, s15;
	[sflag:s16] =	ssyncadd.s32 $0xFFFFE000  }
0x1b: {  	[hbm4b:s17+s3] =	stream.linear.scatter [tilespmem:s10], [sflag:$0x5], $0x2000, $0x38;
	[tilespmem:$0x8100] =	vst v63  }
0x1c: {  	_ =	swait.ge [sflag:s18], $0x2000  }
0x1d: {  	[sflag:s18] =	ssyncset.done $0x0  }
0x1e: {  	s20 =	simm.s32 $0x4;
	s19 =	sadd.s32 $0x800, s15;
	[sflag:s18] =	ssyncadd.s32 $0xFFFFE000  }
0x1f: {  	[hbm4b:s19+s3] =	stream.linear.scatter [tilespmem:s11], [sflag:$0x5], $0x2000, $0x38;
	[tilespmem:$0x8100] =	vst v63  }
0x20: {  	_ =	swait.ge [sflag:s20], $0x2000  }
0x21: {  	[sflag:s20] =	ssyncset.done $0x0  }
0x22: {  	s21 =	simm.s32 $0x5;
	s22 =	sadd.s32 $0xC00, s15;
	[sflag:s20] =	ssyncadd.s32 $0xFFFFE000  }
0x23: {  	[hbm4b:s22+s3] =	stream.linear.scatter [tilespmem:s13], [sflag:$0x5], $0x2000, $0x38;
	[tilespmem:$0x8100] =	vst v63  }
0x24: {  	_ =	swait.ge [sflag:s21], $0x2000  }
0x25: {  	s23 =	ssub.s32 $0x2, s23;
	[sflag:s21] =	ssyncset.done $0x0  }
0x26: {  	s24 =	sshrl.u32 s23, $0x1;
	[sflag:s21] =	ssyncadd.s32 $0xFFFFE000  }
0x27: {  	s23 =	ssub.s32 s23, s24;
	_ =	swait.ge [sflag:s21], $0x2000  }
0x28: {  	s23 =	smax.u32 s23, $0x1;
	[sflag:s21] =	ssyncset.done $0x0  }
0x29: {  	p0 =	sne.s32 s23, $0x1;
	[sflag:s21] =	ssyncadd.s32 $0xFFFFE000  }
.Ltmp0:
0x2a: {  	_ =	swait.ge [sflag:s21], $0x2000;
	(pc) =	sbr.rel @!p0 .LBB2_2-.Ltmp0, $4  }
0x2b: {  	[sflag:s21] =	ssyncset.done $0x0  }
0x2c: {  	[sflag:s21] =	ssyncadd.s32 $0xFFFFE000  }
0x2d: {  	_ =	swait.ge [sflag:s21], $0x2000  }
0x2e: {  	s23 =	sadd.s32 $0xFFFFFFFF, s23;
	[sflag:s21] =	ssyncset.done $0x0  }
.LBB2_1:
0x2f: {  	p0 =	sne.s32 s23, $0x1;
	s23 =	sadd.s32 $0xFFFFFFFF, s23;
	[sflag:s21] =	ssyncadd.s32 $0xFFFFE000  }
0x30: {  	[tilespmem:s3], [sflag:$0x6] =	stream.strided.gather [hbm4b:s4+s5], $0x100, s6, s5, $0x38;
	[tilespmem:$0x8100] =	vst v63  }
0x31: {  	_ =	swait.ge [sflag:s7], $0x100  }
0x32: {  	[sflag:s7] =	ssyncset.done $0x0  }
0x33: {  	[sflag:s7] =	ssyncadd.s32 $0xFFFFFF00  }
0x34: {  	[tilespmem:s9], [sflag:$0x1] =	stream.indirect.gather [hbm4b:s2+s8], $0x80, s3, s8, $0xb8;
	[tilespmem:$0x8100] =	vst v63  }
0x35: {  	_ = 	snop  }
0x36: {  	[tilespmem:s10], [sflag:$0x2] =	stream.indirect.gather [hbm4b:s2+s8], $0x80, s8, s8, $0xb8;
	[tilespmem:$0x8100] =	vst v63  }
0x37: {  	_ = 	snop  }
0x38: {  	[tilespmem:s11], [sflag:$0x3] =	stream.indirect.gather [hbm4b:s2+s8], $0x80, s5, s8, $0xb8;
	[tilespmem:$0x8100] =	vst v63  }
0x39: {  	_ = 	snop  }
0x3a: {  	[tilespmem:s13], [sflag:$0x4] =	stream.indirect.gather [hbm4b:s2+s8], $0x80, s12, s8, $0xb8;
	[tilespmem:$0x8100] =	vst v63  }
0x3b: {  	_ =	swait.ge [sflag:s14], $0x2000  }
0x3c: {  	[sflag:s14] =	ssyncset.done $0x0  }
0x3d: {  	[sflag:s14] =	ssyncadd.s32 $0xFFFFE000  }
0x3e: {  	[hbm4b:s15+s3] =	stream.linear.scatter [tilespmem:s9], [sflag:$0x5], $0x2000, $0x38;
	[tilespmem:$0x8100] =	vst v63  }
0x3f: {  	_ =	swait.ge [sflag:s16], $0x2000  }
0x40: {  	[sflag:s16] =	ssyncset.done $0x0  }
0x41: {  	[sflag:s16] =	ssyncadd.s32 $0xFFFFE000  }
0x42: {  	[hbm4b:s17+s3] =	stream.linear.scatter [tilespmem:s10], [sflag:$0x5], $0x2000, $0x38;
	[tilespmem:$0x8100] =	vst v63  }
0x43: {  	_ =	swait.ge [sflag:s18], $0x2000  }
0x44: {  	[sflag:s18] =	ssyncset.done $0x0  }
0x45: {  	[sflag:s18] =	ssyncadd.s32 $0xFFFFE000  }
0x46: {  	[hbm4b:s19+s3] =	stream.linear.scatter [tilespmem:s11], [sflag:$0x5], $0x2000, $0x38;
	[tilespmem:$0x8100] =	vst v63  }
0x47: {  	_ =	swait.ge [sflag:s20], $0x2000  }
0x48: {  	[sflag:s20] =	ssyncset.done $0x0  }
0x49: {  	[sflag:s20] =	ssyncadd.s32 $0xFFFFE000  }
0x4a: {  	[hbm4b:s22+s3] =	stream.linear.scatter [tilespmem:s13], [sflag:$0x5], $0x2000, $0x38;
	[tilespmem:$0x8100] =	vst v63  }
0x4b: {  	_ =	swait.ge [sflag:s21], $0x2000  }
0x4c: {  	[sflag:s21] =	ssyncset.done $0x0  }
0x4d: {  	[sflag:s21] =	ssyncadd.s32 $0xFFFFE000  }
0x4e: {  	_ =	swait.ge [sflag:s21], $0x2000  }
0x4f: {  	[sflag:s21] =	ssyncset.done $0x0  }
0x50: {  	[sflag:s21] =	ssyncadd.s32 $0xFFFFE000  }
.Ltmp1:
0x51: {  	_ =	swait.ge [sflag:s21], $0x2000;
	(pc) =	sbr.rel @p0 .LBB2_1-.Ltmp1, $4  }
0x52: {  	[sflag:s21] =	ssyncset.done $0x0  }
0x53: {  	[sflag:s21] =	ssyncadd.s32 $0xFFFFE000  }
0x54: {  	_ =	swait.ge [sflag:s21], $0x2000  }
0x55: {  	[sflag:s21] =	ssyncset.done $0x0  }
.LBB2_2:
0x56: {  	[sflag:s21] =	ssyncadd.s32 $0xFFFFE000  }
0x57: {  	_ =	sfence.sel $0x180000  }
0x58: {  	[bflag:$0x0] =	sbarrier.arrive $0xFFFF  }
0x59: {  	p0 =	sne.s32 s0, $0x0;
	_ =	strace $0x90000047  }
0x5a: {  	s0 =	sadd.s32 @!p0 $0x100000, s1;
	[bflag:$0x2] =	sbarrier.arrive $0xFFFF  }
0x5b: {  	[sflag:s0] =	ssyncadd.tile.s32 @!p0 $0x1;
	_ =	shalt  }
.Lfunc_end2:
_tile_overlayer_lowered:
.L_overlay_start_2:
0x5c: {  	(tag) =	ssettag $0x2  }
0x5d: {  	s0 =	rddreg [dreg:$0x0];
	s2 =	stileid.u32  }
0x5e: {  	s1 =	rddreg [dreg:$0x1];
	p0 =	sne.s32 s2, $0x0  }
0x5f: {  	s3 =	rddreg [dreg:$0x2];
	[bflag:$0x3] =	sbarrier.arrive $0xFFFF;
	s2 =	simm.s32 @!p0 $0x1C06  }
0x60: {  	[timem:s3], [sflag:s2] =	dma.local @!p0 [hbm:s0], s1  }
0x61: {  	s0 =	simm.s32 @!p0 $0x6  }
0x62: {  	_ =	swait.ge @!p0 [sflag:s0], s1  }
0x63: {  	s1 =	ssub.s32 @!p0 $0x0, s1;
	[sflag:s0] =	ssyncset.done @!p0 $0x0  }
0x64: {  	[sflag:s0] =	ssyncadd.s32 @!p0 s1  }
0x65: {  	[bflag:$0x3] =	sbarrier.arrive $0xFFFF  }
0x66: {  	_ =	shalt  }

</sc_bundles>
